<compile_context>
chip_gen: v7x
topology: tpu7x:2x2x1
jax: 0.10.2.dev20260603
libtpu: 0.0.44.dev20260713+nightly
codegen_flags: <defaults>
</compile_context>

<pallas_src>
import functools

import jax
import jax.numpy as jnp
from jax import lax
from jax.experimental import pallas as pl
from jax.experimental.pallas import tpu as pltpu
from jax.experimental.pallas import tpu_sc as plsc

_N = 16384
_SEGS = 16
_NC = 2
_NS = 16
_NW = _NC * _NS
_CHUNK = _N // _NW
_ITERS = _CHUNK // 16


def _sc_curve(t_flat, positions, tangents):
    mesh = plsc.VectorSubcoreMesh(core_axis_name="c", subcore_axis_name="s")

    @functools.partial(
        pl.kernel,
        mesh=mesh,
        out_type=jax.ShapeDtypeStruct((3, _N), jnp.float32),
        scratch_types=[
            pltpu.VMEM((_CHUNK,), jnp.float32),
            pltpu.VMEM((3, _CHUNK), jnp.float32),
            pltpu.VMEM((17, 3), jnp.float32),
            pltpu.VMEM((17, 3), jnp.float32),
        ],
        compiler_params=pltpu.CompilerParams(needs_layout_passes=False),
    )
    def run(t_hbm, pos_hbm, tan_hbm, out_hbm, t_v, out_v, pos_v, tan_v):
        wid = lax.axis_index("s") * _NC + lax.axis_index("c")
        base = wid * _CHUNK
        pltpu.sync_copy(t_hbm.at[pl.ds(base, _CHUNK)], t_v)
        pltpu.sync_copy(pos_hbm, pos_v)
        pltpu.sync_copy(tan_hbm, tan_v)
        lane = lax.iota(jnp.int32, 16)
        czero = lane * 0

        def body(i, carry):
            tv = t_v[pl.ds(i * 16, 16)]
            tt = jnp.minimum(jnp.maximum(tv, 0.0), 1.0)
            scaled = tt * float(_SEGS)
            seg = jnp.minimum(scaled.astype(jnp.int32), _SEGS - 1)
            lt = scaled - seg.astype(jnp.float32)
            segp = seg + 1
            p0x = plsc.load_gather(pos_v, [seg, czero])
            p0y = plsc.load_gather(pos_v, [seg, czero + 1])
            p0z = plsc.load_gather(pos_v, [seg, czero + 2])
            p1x = plsc.load_gather(pos_v, [segp, czero])
            p1y = plsc.load_gather(pos_v, [segp, czero + 1])
            p1z = plsc.load_gather(pos_v, [segp, czero + 2])
            v0x = plsc.load_gather(tan_v, [seg, czero])
            v0y = plsc.load_gather(tan_v, [seg, czero + 1])
            v0z = plsc.load_gather(tan_v, [seg, czero + 2])
            v1x = plsc.load_gather(tan_v, [segp, czero])
            v1y = plsc.load_gather(tan_v, [segp, czero + 1])
            v1z = plsc.load_gather(tan_v, [segp, czero + 2])
            t2 = lt * lt
            t3 = t2 * lt
            h00 = 2.0 * t3 - 3.0 * t2 + 1.0
            h10 = t3 - 2.0 * t2 + lt
            h01 = 3.0 * t2 - 2.0 * t3
            h11 = t3 - t2
            ox = h00 * p0x + h10 * v0x + h01 * p1x + h11 * v1x
            oy = h00 * p0y + h10 * v0y + h01 * p1y + h11 * v1y
            oz = h00 * p0z + h10 * v0z + h01 * p1z + h11 * v1z
            out_v[0, pl.ds(i * 16, 16)] = ox
            out_v[1, pl.ds(i * 16, 16)] = oy
            out_v[2, pl.ds(i * 16, 16)] = oz
            return carry

        lax.fori_loop(0, _ITERS, body, 0)
        pltpu.sync_copy(out_v, out_hbm.at[:, pl.ds(base, _CHUNK)])

    return run(t_flat, positions, tangents)


def kernel(t, positions, tangents):
    t_flat = jnp.squeeze(t, -1)
    out_planar = _sc_curve(t_flat, positions, tangents)
    return out_planar.T

# --- scband reference (transcript-rebuilt; emitter-appended) ---
"""Pipeline reference for scband-splanifold-curve-11690900980246 (READ-ONLY COPY).

The authoritative reference and input builder live on the scoring server;
editing this copy changes nothing except your own understanding.
"""

import jax, jax.numpy as jnp
import numpy as np

NUM_SEGMENTS = 16
NUM_KNOTS = NUM_SEGMENTS + 1


def _hermite(p0, p1, v0, v1, t):
    t2 = t * t
    t3 = t2 * t
    h00 = 2.0 * t3 - 3.0 * t2 + 1.0
    h10 = t3 - 2.0 * t2 + t
    h01 = -2.0 * t3 + 3.0 * t2
    h11 = t3 - t2
    return h00 * p0 + h10 * v0 + h01 * p1 + h11 * v1


def setup_inputs(seed: int = 0) -> dict:
    key = jax.random.key(seed)
    k1, k2, k3 = jax.random.split(key, 3)
    t = jax.random.uniform(k1, (16384, 1), dtype=jnp.float32)
    positions = jax.random.normal(k2, (NUM_KNOTS, 3), dtype=jnp.float32)
    tangents = jax.random.normal(k3, (NUM_KNOTS, 3), dtype=jnp.float32)
    return {"t": t, "positions": positions, "tangents": tangents}


def reference(t, positions, tangents):
    tt = jnp.clip(jnp.squeeze(t, -1), 0.0, 1.0)
    seg = jnp.floor(tt * NUM_SEGMENTS).astype(jnp.int32)
    seg = jnp.clip(seg, 0, NUM_SEGMENTS - 1)
    local_t = tt * NUM_SEGMENTS - seg.astype(jnp.float32)
    p0 = jnp.take(positions, seg, axis=0)
    p1 = jnp.take(positions, seg + 1, axis=0)
    v0 = jnp.take(tangents, seg, axis=0)
    v1 = jnp.take(tangents, seg + 1, axis=0)
    return _hermite(p0, p1, v0, v1, local_t[:, None])

if __name__ == "__main__":
    import jax
    _d = setup_inputs()
    print(jax.jit(kernel)(*tuple(_d.values())))

</pallas_src>

<mosaic_0001>
#map = affine_map<(d0, d1) -> (0)>
#map1 = affine_map<(d0, d1) -> (0, 0)>
module attributes {stable_mosaic.version = 14 : i64} {
  func.func @run(%arg0: i32, %arg1: i32, %arg2: memref<16384xf32, #tpu.memory_space<hbm>>, %arg3: memref<17x3xf32, #tpu.memory_space<hbm>>, %arg4: memref<17x3xf32, #tpu.memory_space<hbm>>, %arg5: memref<3x16384xf32, #tpu.memory_space<hbm>>, %arg6: memref<512xf32, #tpu.memory_space<vmem>>, %arg7: memref<3x512xf32, #tpu.memory_space<vmem>>, %arg8: memref<17x3xf32, #tpu.memory_space<vmem>>, %arg9: memref<17x3xf32, #tpu.memory_space<vmem>>) attributes {dimension_semantics = [#tpu.dimension_semantics<core_parallel>, #tpu.dimension_semantics<subcore_parallel>], iteration_bounds = array<i64: 2, 16>, scalar_prefetch = 0 : i64, scratch_operands = 4 : i64, tpu.core_type = #tpu.core_type<sc_vector_subcore>, window_params = [{transform_indices = #map}, {transform_indices = #map1}, {transform_indices = #map1}, {transform_indices = #map1}]} {
    %mul3A = arith.constant 2 : i32
    %mul3A_0 = arith.muli %arg1, %mul3A : i32
    %add3A = arith.addi %mul3A_0, %arg0 : i32
    %mul3A_1 = arith.constant 512 : i32
    %mul3A_2 = arith.muli %add3A, %mul3A_1 : i32
    "tpu.region"() ({
      %run_scoped3A = tpu.sem_alloc : memref<!tpu.dma_semaphore, #tpu.memory_space<semaphore_mem>>
      %dma_start3A = tpu.memref_slice %arg2[%mul3A_2] : memref<16384xf32, #tpu.memory_space<hbm>> -> memref<512xf32, #tpu.memory_space<hbm>>
      %dma_start3A_11 = tpu.memref_slice %arg2[%mul3A_2] : memref<16384xf32, #tpu.memory_space<hbm>> -> memref<512xf32, #tpu.memory_space<hbm>>
      tpu.enqueue_dma source(%dma_start3A_11 : memref<512xf32, #tpu.memory_space<hbm>>) target(%arg6 : memref<512xf32, #tpu.memory_space<vmem>>) target_semaphore(%run_scoped3A : memref<!tpu.dma_semaphore, #tpu.memory_space<semaphore_mem>>)
      %dma_wait3A = tpu.memref_slice %arg2[%mul3A_2] : memref<16384xf32, #tpu.memory_space<hbm>> -> memref<512xf32, #tpu.memory_space<hbm>>
      %dma_wait3A_12 = tpu.memref_slice %arg2[%mul3A_2] : memref<16384xf32, #tpu.memory_space<hbm>> -> memref<512xf32, #tpu.memory_space<hbm>>
      tpu.wait_dma2 semaphore(%run_scoped3A : memref<!tpu.dma_semaphore, #tpu.memory_space<semaphore_mem>>) src(%dma_wait3A_12 : memref<512xf32, #tpu.memory_space<hbm>>) dst(%arg6 : memref<512xf32, #tpu.memory_space<vmem>>)
      tpu.yield
    }) : () -> ()
    "tpu.region"() ({
      %run_scoped3A = tpu.sem_alloc : memref<!tpu.dma_semaphore, #tpu.memory_space<semaphore_mem>>
      tpu.enqueue_dma source(%arg3 : memref<17x3xf32, #tpu.memory_space<hbm>>) target(%arg8 : memref<17x3xf32, #tpu.memory_space<vmem>>) target_semaphore(%run_scoped3A : memref<!tpu.dma_semaphore, #tpu.memory_space<semaphore_mem>>)
      tpu.wait_dma2 semaphore(%run_scoped3A : memref<!tpu.dma_semaphore, #tpu.memory_space<semaphore_mem>>) src(%arg3 : memref<17x3xf32, #tpu.memory_space<hbm>>) dst(%arg8 : memref<17x3xf32, #tpu.memory_space<vmem>>)
      tpu.yield
    }) : () -> ()
    "tpu.region"() ({
      %run_scoped3A = tpu.sem_alloc : memref<!tpu.dma_semaphore, #tpu.memory_space<semaphore_mem>>
      tpu.enqueue_dma source(%arg4 : memref<17x3xf32, #tpu.memory_space<hbm>>) target(%arg9 : memref<17x3xf32, #tpu.memory_space<vmem>>) target_semaphore(%run_scoped3A : memref<!tpu.dma_semaphore, #tpu.memory_space<semaphore_mem>>)
      tpu.wait_dma2 semaphore(%run_scoped3A : memref<!tpu.dma_semaphore, #tpu.memory_space<semaphore_mem>>) src(%arg4 : memref<17x3xf32, #tpu.memory_space<hbm>>) dst(%arg9 : memref<17x3xf32, #tpu.memory_space<vmem>>)
      tpu.yield
    }) : () -> ()
    %iota3A = tpu.iota {dimensions = array<i32: 0>} : vector<16xi32>
    %mul3A_3 = arith.constant 0 : i32
    %mul3A_4 = vector.broadcast %mul3A_3 : i32 to vector<16xi32>
    %mul3A_5 = arith.muli %iota3A, %mul3A_4 : vector<16xi32>
    %scan3A = arith.constant 0 : i32
    %scan3A_6 = arith.constant 0 : i32
    %scan3A_7 = arith.constant 32 : i32
    %scan3A_8 = arith.addi %scan3A_6, %scan3A_7 : i32
    %scan3A_9 = arith.constant 1 : i32
    scf.for %scan3A_11 = %scan3A_6 to %scan3A_8 step %scan3A_9  : i32 {
      %mul3A_12 = arith.constant 16 : i32
      %mul3A_13 = arith.muli %scan3A_11, %mul3A_12 : i32
      %get3A = arith.index_cast %mul3A_13 : i32 to index
      %get3A_14 = tpu.vector_load %arg6[%get3A] {strides = array<i32>} : memref<512xf32, #tpu.memory_space<vmem>>, vector<16xf32>,
      %max3A = arith.constant 0.000000e+00 : f32
      %max3A_15 = vector.broadcast %max3A : f32 to vector<16xf32>
      %max3A_16 = arith.maximumf %get3A_14, %max3A_15 : vector<16xf32>
      %min3A = arith.constant 1.000000e+00 : f32
      %min3A_17 = vector.broadcast %min3A : f32 to vector<16xf32>
      %min3A_18 = arith.minimumf %max3A_16, %min3A_17 : vector<16xf32>
      %mul3A_19 = arith.constant 1.600000e+01 : f32
      %mul3A_20 = vector.broadcast %mul3A_19 : f32 to vector<16xf32>
      %mul3A_21 = arith.mulf %min3A_18, %mul3A_20 : vector<16xf32>
      %convert_element_type3A = arith.fptosi %mul3A_21 : vector<16xf32> to vector<16xi32>
      %min3A_22 = arith.constant 15 : i32
      %min3A_23 = vector.broadcast %min3A_22 : i32 to vector<16xi32>
      %min3A_24 = arith.minsi %convert_element_type3A, %min3A_23 : vector<16xi32>
      %convert_element_type3A_25 = arith.sitofp %min3A_24 : vector<16xi32> to vector<16xf32>
      %sub3A = arith.subf %mul3A_21, %convert_element_type3A_25 : vector<16xf32>
      %add3A_26 = arith.constant 1 : i32
      %add3A_27 = vector.broadcast %add3A_26 : i32 to vector<16xi32>
      %add3A_28 = arith.addi %min3A_24, %add3A_27 : vector<16xi32>
      %gather3A = tpu.vector_load_idx %arg8[%min3A_24, %mul3A_5] : memref<17x3xf32, #tpu.memory_space<vmem>>[vector<16xi32>, vector<16xi32>], vector<16xf32>,
      %add3A_29 = arith.constant 1 : i32
      %add3A_30 = vector.broadcast %add3A_29 : i32 to vector<16xi32>
      %add3A_31 = arith.addi %mul3A_5, %add3A_30 : vector<16xi32>
      %gather3A_32 = tpu.vector_load_idx %arg8[%min3A_24, %add3A_31] : memref<17x3xf32, #tpu.memory_space<vmem>>[vector<16xi32>, vector<16xi32>], vector<16xf32>,
      %add3A_33 = arith.constant 2 : i32
      %add3A_34 = vector.broadcast %add3A_33 : i32 to vector<16xi32>
      %add3A_35 = arith.addi %mul3A_5, %add3A_34 : vector<16xi32>
      %gather3A_36 = tpu.vector_load_idx %arg8[%min3A_24, %add3A_35] : memref<17x3xf32, #tpu.memory_space<vmem>>[vector<16xi32>, vector<16xi32>], vector<16xf32>,
      %gather3A_37 = tpu.vector_load_idx %arg8[%add3A_28, %mul3A_5] : memref<17x3xf32, #tpu.memory_space<vmem>>[vector<16xi32>, vector<16xi32>], vector<16xf32>,
      %add3A_38 = arith.constant 1 : i32
      %add3A_39 = vector.broadcast %add3A_38 : i32 to vector<16xi32>
      %add3A_40 = arith.addi %mul3A_5, %add3A_39 : vector<16xi32>
      %gather3A_41 = tpu.vector_load_idx %arg8[%add3A_28, %add3A_40] : memref<17x3xf32, #tpu.memory_space<vmem>>[vector<16xi32>, vector<16xi32>], vector<16xf32>,
      %add3A_42 = arith.constant 2 : i32
      %add3A_43 = vector.broadcast %add3A_42 : i32 to vector<16xi32>
      %add3A_44 = arith.addi %mul3A_5, %add3A_43 : vector<16xi32>
      %gather3A_45 = tpu.vector_load_idx %arg8[%add3A_28, %add3A_44] : memref<17x3xf32, #tpu.memory_space<vmem>>[vector<16xi32>, vector<16xi32>], vector<16xf32>,
      %gather3A_46 = tpu.vector_load_idx %arg9[%min3A_24, %mul3A_5] : memref<17x3xf32, #tpu.memory_space<vmem>>[vector<16xi32>, vector<16xi32>], vector<16xf32>,
      %add3A_47 = arith.constant 1 : i32
      %add3A_48 = vector.broadcast %add3A_47 : i32 to vector<16xi32>
      %add3A_49 = arith.addi %mul3A_5, %add3A_48 : vector<16xi32>
      %gather3A_50 = tpu.vector_load_idx %arg9[%min3A_24, %add3A_49] : memref<17x3xf32, #tpu.memory_space<vmem>>[vector<16xi32>, vector<16xi32>], vector<16xf32>,
      %add3A_51 = arith.constant 2 : i32
      %add3A_52 = vector.broadcast %add3A_51 : i32 to vector<16xi32>
      %add3A_53 = arith.addi %mul3A_5, %add3A_52 : vector<16xi32>
      %gather3A_54 = tpu.vector_load_idx %arg9[%min3A_24, %add3A_53] : memref<17x3xf32, #tpu.memory_space<vmem>>[vector<16xi32>, vector<16xi32>], vector<16xf32>,
      %gather3A_55 = tpu.vector_load_idx %arg9[%add3A_28, %mul3A_5] : memref<17x3xf32, #tpu.memory_space<vmem>>[vector<16xi32>, vector<16xi32>], vector<16xf32>,
      %add3A_56 = arith.constant 1 : i32
      %add3A_57 = vector.broadcast %add3A_56 : i32 to vector<16xi32>
      %add3A_58 = arith.addi %mul3A_5, %add3A_57 : vector<16xi32>
      %gather3A_59 = tpu.vector_load_idx %arg9[%add3A_28, %add3A_58] : memref<17x3xf32, #tpu.memory_space<vmem>>[vector<16xi32>, vector<16xi32>], vector<16xf32>,
      %add3A_60 = arith.constant 2 : i32
      %add3A_61 = vector.broadcast %add3A_60 : i32 to vector<16xi32>
      %add3A_62 = arith.addi %mul3A_5, %add3A_61 : vector<16xi32>
      %gather3A_63 = tpu.vector_load_idx %arg9[%add3A_28, %add3A_62] : memref<17x3xf32, #tpu.memory_space<vmem>>[vector<16xi32>, vector<16xi32>], vector<16xf32>,
      %mul3A_64 = arith.mulf %sub3A, %sub3A : vector<16xf32>
      %mul3A_65 = arith.mulf %mul3A_64, %sub3A : vector<16xf32>
      %mul3A_66 = arith.constant 2.000000e+00 : f32
      %mul3A_67 = vector.broadcast %mul3A_66 : f32 to vector<16xf32>
      %mul3A_68 = arith.mulf %mul3A_67, %mul3A_65 : vector<16xf32>
      %mul3A_69 = arith.constant 3.000000e+00 : f32
      %mul3A_70 = vector.broadcast %mul3A_69 : f32 to vector<16xf32>
      %mul3A_71 = arith.mulf %mul3A_70, %mul3A_64 : vector<16xf32>
      %sub3A_72 = arith.subf %mul3A_68, %mul3A_71 : vector<16xf32>
      %add3A_73 = arith.constant 1.000000e+00 : f32
      %add3A_74 = vector.broadcast %add3A_73 : f32 to vector<16xf32>
      %add3A_75 = arith.addf %sub3A_72, %add3A_74 : vector<16xf32>
      %mul3A_76 = arith.constant 2.000000e+00 : f32
      %mul3A_77 = vector.broadcast %mul3A_76 : f32 to vector<16xf32>
      %mul3A_78 = arith.mulf %mul3A_77, %mul3A_64 : vector<16xf32>
      %sub3A_79 = arith.subf %mul3A_65, %mul3A_78 : vector<16xf32>
      %add3A_80 = arith.addf %sub3A_79, %sub3A : vector<16xf32>
      %mul3A_81 = arith.constant 3.000000e+00 : f32
      %mul3A_82 = vector.broadcast %mul3A_81 : f32 to vector<16xf32>
      %mul3A_83 = arith.mulf %mul3A_82, %mul3A_64 : vector<16xf32>
      %mul3A_84 = arith.constant 2.000000e+00 : f32
      %mul3A_85 = vector.broadcast %mul3A_84 : f32 to vector<16xf32>
      %mul3A_86 = arith.mulf %mul3A_85, %mul3A_65 : vector<16xf32>
      %sub3A_87 = arith.subf %mul3A_83, %mul3A_86 : vector<16xf32>
      %sub3A_88 = arith.subf %mul3A_65, %mul3A_64 : vector<16xf32>
      %mul3A_89 = arith.mulf %add3A_75, %gather3A : vector<16xf32>
      %mul3A_90 = arith.mulf %add3A_80, %gather3A_46 : vector<16xf32>
      %add3A_91 = arith.addf %mul3A_89, %mul3A_90 : vector<16xf32>
      %mul3A_92 = arith.mulf %sub3A_87, %gather3A_37 : vector<16xf32>
      %add3A_93 = arith.addf %add3A_91, %mul3A_92 : vector<16xf32>
      %mul3A_94 = arith.mulf %sub3A_88, %gather3A_55 : vector<16xf32>
      %add3A_95 = arith.addf %add3A_93, %mul3A_94 : vector<16xf32>
      %mul3A_96 = arith.mulf %add3A_75, %gather3A_32 : vector<16xf32>
      %mul3A_97 = arith.mulf %add3A_80, %gather3A_50 : vector<16xf32>
      %add3A_98 = arith.addf %mul3A_96, %mul3A_97 : vector<16xf32>
      %mul3A_99 = arith.mulf %sub3A_87, %gather3A_41 : vector<16xf32>
      %add3A_100 = arith.addf %add3A_98, %mul3A_99 : vector<16xf32>
      %mul3A_101 = arith.mulf %sub3A_88, %gather3A_59 : vector<16xf32>
      %add3A_102 = arith.addf %add3A_100, %mul3A_101 : vector<16xf32>
      %mul3A_103 = arith.mulf %add3A_75, %gather3A_36 : vector<16xf32>
      %mul3A_104 = arith.mulf %add3A_80, %gather3A_54 : vector<16xf32>
      %add3A_105 = arith.addf %mul3A_103, %mul3A_104 : vector<16xf32>
      %mul3A_106 = arith.mulf %sub3A_87, %gather3A_45 : vector<16xf32>
      %add3A_107 = arith.addf %add3A_105, %mul3A_106 : vector<16xf32>
      %mul3A_108 = arith.mulf %sub3A_88, %gather3A_63 : vector<16xf32>
      %add3A_109 = arith.addf %add3A_107, %mul3A_108 : vector<16xf32>
      %mul3A_110 = arith.constant 16 : i32
      %mul3A_111 = arith.muli %scan3A_11, %mul3A_110 : i32
      %swap3A = arith.constant 0 : i32
      %swap3A_112 = arith.index_cast %swap3A : i32 to index
      %swap3A_113 = arith.index_cast %mul3A_111 : i32 to index
      %swap3A_114 = tpu.vector_load %arg7[%swap3A_112, %swap3A_113] {strides = array<i32>} : memref<3x512xf32, #tpu.memory_space<vmem>>, vector<16xf32>,
      tpu.vector_store %arg7[%swap3A_112, %swap3A_113], %add3A_95 {strides = array<i32>} : memref<3x512xf32, #tpu.memory_space<vmem>>, vector<16xf32>,
      %mul3A_115 = arith.constant 16 : i32
      %mul3A_116 = arith.muli %scan3A_11, %mul3A_115 : i32
      %swap3A_117 = arith.constant 1 : i32
      %swap3A_118 = arith.index_cast %swap3A_117 : i32 to index
      %swap3A_119 = arith.index_cast %mul3A_116 : i32 to index
      %swap3A_120 = tpu.vector_load %arg7[%swap3A_118, %swap3A_119] {strides = array<i32>} : memref<3x512xf32, #tpu.memory_space<vmem>>, vector<16xf32>,
      tpu.vector_store %arg7[%swap3A_118, %swap3A_119], %add3A_102 {strides = array<i32>} : memref<3x512xf32, #tpu.memory_space<vmem>>, vector<16xf32>,
      %mul3A_121 = arith.constant 16 : i32
      %mul3A_122 = arith.muli %scan3A_11, %mul3A_121 : i32
      %swap3A_123 = arith.constant 2 : i32
      %swap3A_124 = arith.index_cast %swap3A_123 : i32 to index
      %swap3A_125 = arith.index_cast %mul3A_122 : i32 to index
      %swap3A_126 = tpu.vector_load %arg7[%swap3A_124, %swap3A_125] {strides = array<i32>} : memref<3x512xf32, #tpu.memory_space<vmem>>, vector<16xf32>,
      tpu.vector_store %arg7[%swap3A_124, %swap3A_125], %add3A_109 {strides = array<i32>} : memref<3x512xf32, #tpu.memory_space<vmem>>, vector<16xf32>,
    }
    %scan3A_10 = arith.constant 32 : i32
    "tpu.region"() ({
      %run_scoped3A = tpu.sem_alloc : memref<!tpu.dma_semaphore, #tpu.memory_space<semaphore_mem>>
      %dma_start3A = arith.constant 0 : i32
      %dma_start3A_11 = tpu.memref_slice %arg5[%dma_start3A, %mul3A_2] : memref<3x16384xf32, #tpu.memory_space<hbm>> -> memref<3x512xf32, #tpu.memory_space<hbm>>
      %dma_start3A_12 = arith.constant 0 : i32
      %dma_start3A_13 = tpu.memref_slice %arg5[%dma_start3A_12, %mul3A_2] : memref<3x16384xf32, #tpu.memory_space<hbm>> -> memref<3x512xf32, #tpu.memory_space<hbm>>
      tpu.enqueue_dma source(%arg7 : memref<3x512xf32, #tpu.memory_space<vmem>>) target(%dma_start3A_13 : memref<3x512xf32, #tpu.memory_space<hbm>>) target_semaphore(%run_scoped3A : memref<!tpu.dma_semaphore, #tpu.memory_space<semaphore_mem>>)
      %dma_wait3A = arith.constant 0 : i32
      %dma_wait3A_14 = tpu.memref_slice %arg5[%dma_wait3A, %mul3A_2] : memref<3x16384xf32, #tpu.memory_space<hbm>> -> memref<3x512xf32, #tpu.memory_space<hbm>>
      %dma_wait3A_15 = arith.constant 0 : i32
      %dma_wait3A_16 = tpu.memref_slice %arg5[%dma_wait3A_15, %mul3A_2] : memref<3x16384xf32, #tpu.memory_space<hbm>> -> memref<3x512xf32, #tpu.memory_space<hbm>>
      tpu.wait_dma2 semaphore(%run_scoped3A : memref<!tpu.dma_semaphore, #tpu.memory_space<semaphore_mem>>) src(%arg7 : memref<3x512xf32, #tpu.memory_space<vmem>>) dst(%dma_wait3A_16 : memref<3x512xf32, #tpu.memory_space<hbm>>)
      tpu.yield
    }) : () -> ()
    return
  }
}

</mosaic_0001>

<sc_bundles>
// kernel: kernel.3.cloned.1.call-start
scs
__scs_entry_jumppad:
0x0: {  	(pc) =	sbr.rel $0x88, $3  }
0x1: {  	(tag) =	ssettag $0x0;
	lr =	simm.s32 $0x1  }
0x2: {  	[smem:$0x3F9E] =	sst lr;
	_ =	strace $0xD0000000  }
0x3: {  	_ = 	snop  }
0x4: {  	_ = 	snop  }
0x5: {  	_ = 	snop  }
0x6: {  	_ = 	snop  }
0x7: {  	_ = 	snop  }
__scs_overlays_trampoline_lowered:
0x8: {  	[smem:$0x3FAD] =	sst s0  }
0x9: {  	[smem:$0x3FAE] =	sst s1  }
0xa: {  	[smem:$0x3FAF] =	sst s2  }
0xb: {  	[smem:$0x3FB0] =	sst s3  }
0xc: {  	[smem:$0x3FB1] =	sst s4  }
0xd: {  	[smem:$0x3FB2] =	sst s5  }
0xe: {  	[smem:$0x3FB3] =	sst s6  }
0xf: {  	[smem:$0x3FB4] =	sst s7  }
0x10: {  	[smem:$0x3FB5] =	sst s8  }
0x11: {  	[smem:$0x3FB6] =	sst s9;
	s0 =	simm.s32 @!p0 $0x0  }
0x12: {  	s1 =	sld [smem:$0x3F9C];
	s0 =	simm.s32 @p0 $0x1  }
0x13: {  	[smem:$0x3FB7] =	sst s0;
	s0 =	simm.s32 @!p1 $0x0  }
0x14: {  	s2 =	sld [smem:$0x3F9B];
	s0 =	simm.s32 @p1 $0x1  }
0x15: {  	[smem:$0x3FB8] =	sst s0;
	s0 =	simm.s32 @!p2 $0x0  }
0x16: {  	s3 =	sld [smem:$0x3FDB];
	s0 =	simm.s32 @p2 $0x1  }
0x17: {  	s4 =	simm.s32 $0x1BF5;
	[smem:$0x3FBA] =	sst s0  }
0x18: {  	s0 =	sld [smem:$0x3F9D];
	_ =	swait.ge [sflag:s4], $0x0  }
0x19: {  	s7 =	sld [smem:$0x3F9E]  }
0x1a: {  	s8 =	sadd.s32 $0xFFFFE003, lr  }
0x1b: {  	s9 =	sadd.s32 $0xFFFFFEF7, lr;
	s5 =	simm.s32 $0xFFFFFFFF;
	p2 =	slt.u32 s8, $0xFFFFF086  }
0x1c: {  	p1 =	slt.u32 s9, $0xF7A;
	s5 =	simm.s32 @!p2 $0x0  }
0x1d: {  	s5 =	simm.s32 @p1 $0x1;
	p0 =	seq.s32 s7, s2  }
0x1e: {  	s7 =	smul.u32 @!p0 $0xF7A, s2;
	p2 =	seq.s32 @!p0 s5, $0x0  }
0x1f: {  	s9 =	smul.u32 $0xF7A, s1;
	s8 =	simm.s32 @!p0 $0x1BF5;
	p2 =	por !p2, p0  }
0x20: {  	[sflag:s8] =	ssyncset.s32 @!p0 $0xFFFFF086;
	s6 =	sadd.s32 @!p0 s3, s7;
	s7 =	simm.s32 @!p0 $0x108  }
0x21: {  	s3 =	sadd.s32 s3, s9;
	s6 =	sadd.s32 @!p0 $0x88, s6;
	s7 =	simm.s32 @p2 $0x1082  }
0x22: {  	[simem:s7], [sflag:s8] =	dma.local @!p0 [hbm:s6], $0xF7A  }
0x23: {  	s9 =	sor.u32 $0xD0000000, s2;
	s6 =	simm.s32 $0x108;
	_ =	swait.ge @!p0 [sflag:s8], $0x0  }
0x24: {  	s3 =	sadd.s32 $0x88, s3;
	s6 =	simm.s32 @!p1 $0x1082;
	[sflag:s4] =	ssyncset.s32 $0xFFFFF086  }
0x25: {  	[simem:s6], [sflag:s4] =	dma.local [hbm:s3], $0xF7A  }
0x26: {  	[smem:$0x3F9E] =	sst s1;
	(tag) =	ssettag s2;
	_ =	strace s9  }
0x27: {  	s1 =	sld [smem:$0x3FAE]  }
0x28: {  	s2 =	sld [smem:$0x3FAF]  }
0x29: {  	s4 =	sld [smem:$0x3FB1]  }
0x2a: {  	p0 =	seq.s32 s5, $0x0;
	s5 =	sld [smem:$0x3FB2]  }
0x2b: {  	s6 =	sld [smem:$0x3FB3]  }
0x2c: {  	s7 =	sld [smem:$0x3FB4]  }
0x2d: {  	s3 =	simm.s32 $0x108;
	s8 =	sld [smem:$0x3FB5]  }
0x2e: {  	s3 =	simm.s32 @!p0 $0x1082;
	s9 =	sld [smem:$0x3FB6]  }
0x2f: {  	lr =	sadd.s32 s0, s3;
	s0 =	sld [smem:$0x3FAD]  }
0x30: {  	s3 =	sld [smem:$0x3FB0]  }
0x31: {  	[smem:$0x3FB9] =	sst s10  }
0x32: {  	s10 =	sld [smem:$0x3FB7];
	_ =	sdelay $0x3  }
0x33: {  	p0 =	seq.s32 s10, $0x1;
	s10 =	sld [smem:$0x3FB9];
	_ =	sdelay $0x3  }
0x34: {  	[smem:$0x3FB9] =	sst s10  }
0x35: {  	s10 =	sld [smem:$0x3FB8];
	_ =	sdelay $0x3  }
0x36: {  	p1 =	seq.s32 s10, $0x1;
	s10 =	sld [smem:$0x3FB9];
	_ =	sdelay $0x3  }
0x37: {  	[smem:$0x3FB9] =	sst s10  }
0x38: {  	s10 =	sld [smem:$0x3FBA]  }
0x39: {  	_ = 	snop;
	(pc) =	sbr.ind lr, $3  }
0x3a: {  	_ = 	snop  }
0x3b: {  	_ = 	snop  }
0x3c: {  	p2 =	seq.s32 s10, $0x1;
	s10 =	sld [smem:$0x3FB9]  }
0x3d: {  	_ =	shalt  }
0x3e: {  	_ =	shalt  }
0x3f: {  	_ =	shalt  }
0x40: {  	_ =	shalt  }
0x41: {  	_ =	shalt  }
0x42: {  	_ =	shalt  }
0x43: {  	_ =	shalt  }
0x44: {  	_ =	shalt  }
0x45: {  	_ =	shalt  }
0x46: {  	_ =	shalt  }
0x47: {  	_ =	shalt  }
0x48: {  	_ =	shalt  }
0x49: {  	_ =	shalt  }
0x4a: {  	_ =	shalt  }
0x4b: {  	_ =	shalt  }
0x4c: {  	_ =	shalt  }
0x4d: {  	_ =	shalt  }
0x4e: {  	_ =	shalt  }
0x4f: {  	_ =	shalt  }
0x50: {  	_ =	shalt  }
0x51: {  	_ =	shalt  }
0x52: {  	_ =	shalt  }
0x53: {  	_ =	shalt  }
0x54: {  	_ =	shalt  }
0x55: {  	_ =	shalt  }
0x56: {  	_ =	shalt  }
0x57: {  	_ =	shalt  }
0x58: {  	_ =	shalt  }
0x59: {  	_ =	shalt  }
0x5a: {  	_ =	shalt  }
0x5b: {  	_ =	shalt  }
0x5c: {  	_ =	shalt  }
0x5d: {  	_ =	shalt  }
0x5e: {  	_ =	shalt  }
0x5f: {  	_ =	shalt  }
0x60: {  	_ =	shalt  }
0x61: {  	_ =	shalt  }
0x62: {  	_ =	shalt  }
0x63: {  	_ =	shalt  }
0x64: {  	_ =	shalt  }
0x65: {  	_ =	shalt  }
0x66: {  	_ =	shalt  }
0x67: {  	_ =	shalt  }
0x68: {  	_ =	shalt  }
0x69: {  	_ =	shalt  }
0x6a: {  	_ =	shalt  }
0x6b: {  	_ =	shalt  }
0x6c: {  	_ =	shalt  }
0x6d: {  	_ =	shalt  }
0x6e: {  	_ =	shalt  }
0x6f: {  	_ =	shalt  }
0x70: {  	_ =	shalt  }
0x71: {  	_ =	shalt  }
0x72: {  	_ =	shalt  }
0x73: {  	_ =	shalt  }
0x74: {  	_ =	shalt  }
0x75: {  	_ =	shalt  }
0x76: {  	_ =	shalt  }
0x77: {  	_ =	shalt  }
0x78: {  	_ =	shalt  }
0x79: {  	_ =	shalt  }
0x7a: {  	_ =	shalt  }
0x7b: {  	_ =	shalt  }
0x7c: {  	_ =	shalt  }
0x7d: {  	_ =	shalt  }
0x7e: {  	_ =	shalt  }
0x7f: {  	_ =	shalt  }
0x80: {  	_ =	shalt  }
0x81: {  	_ =	shalt  }
0x82: {  	_ =	shalt  }
0x83: {  	_ =	shalt  }
0x84: {  	_ =	shalt  }
0x85: {  	_ =	shalt  }
0x86: {  	_ =	shalt  }
0x87: {  	_ =	shalt  }
.Lfunc_end0:
.L_simem_size_0:
called_computation_lowered:
.L_overlay_start_0:
0x88: {  	s2 =	sld [smem:$0x3FD9]  }
0x89: {  	s3 =	sld [smem:$0x3FFE];
	_ =	sdelay $0x1  }
0x8a: {  	s1 =	srdreg.scid  }
0x8b: {  	s0 =	sand.u32 $0x1, s1  }
0x8c: {  	s17 =	sshll.u32 s0, $0xA;
	s2 =	sadd.s32 s3, s2  }
0x8d: {  	s2 =	sadd.s32 s2, s17  }
0x8e: {  	[smem:$0x3FC5] =	sst s2  }
0x8f: {  	_ = 	snop  }
0x90: {  	s2 =	sld [smem:$0x3FC9]  }
0x91: {  	s18 =	sld [smem:$0x3FD0];
	(tm) =	ssettm $0x1  }
0x92: {  	s4 =	sld [smem:$0x3FFB];
	_ =	sdelay $0x3  }
0x93: {  	_ =	strace s4  }
0x94: {  	s4 =	sld [smem:$0x3FFC];
	_ =	sdelay $0x3  }
0x95: {  	_ =	strace s4  }
0x96: {  	s4 =	sld [smem:$0x3FFD];
	_ =	sdelay $0x3  }
0x97: {  	_ =	strace s4  }
0x98: {  	_ =	strace $0x8FFFFFFF  }
0x99: {  	s19 =	sld [smem:$0x3FDB];
	_ =	sdelay $0x1  }
0x9a: {  	s5 =	simm.s32 $_scs_section_size  }
0x9b: {  	s6 =	simm.s32 $_size__tile_overlayer_lowered;
	s7 =	simm.s32 $_tile_overlayer_lowered  }
0x9c: {  	s22 =	simm.s32 $0x1BFF;
	s21 =	sshll.u32 s7, $0x1;
	s4 =	sadd.s32 s5, s19  }
0x9d: {  	s8 =	simm.s32 $0x0;
	s20 =	sshll.u32 s6, $0x1;
	s6 =	sadd.s32 s21, s4  }
0x9e: {  	[timem:s8], [sflag:s22] =	dma.local [hbm:s6], s20  }
0x9f: {  	_ =	swait.ge [sflag:s22], s20  }
0xa0: {  	s5 =	ssub.s32 $0x0, s20;
	[sflag:s22] =	ssyncset.done $0x0  }
0xa1: {  	[sflag:s22] =	ssyncadd.s32 s5;
	_ =	sdelay $0x1  }
0xa2: {  	s23 =	simm.s32 $0x1B8B  }
0xa3: {  	_ =	swait.ge [sflag:s23], $0x1  }
0xa4: {  	[sflag:s23] =	ssyncset.done $0x0  }
0xa5: {  	s25 =	simm.s32 $0x1B8E;
	s24 =	sld [smem:$0x3FFE];
	[sflag:s23] =	ssyncadd.s32 $0xFFFFFFFF  }
0xa6: {  	s26 =	simm.s32 $execute0_lowered;
	[smem:$0x3FD2] =	sst s25  }
0xa7: {  	s6 =	sshll.u32 s26, $0x1;
	_ =	strace $0x80000046;
	[dreg:$0x1] =	wrdreg $0xFFFFFFFF  }
0xa8: {  	s28 =	simm.s32 $_size_execute0_lowered;
	s4 =	sadd.s32 s4, s6;
	[dreg:$0x0] =	wrdreg $0x0  }
0xa9: {  	s6 =	sshll.u32 s28, $0x1;
	[dreg:$0x2] =	wrdreg s4  }
0xaa: {  	[dreg:$0x3] =	wrdreg s6  }
0xab: {  	[dreg:$0x4] =	wrdreg $0xC0  }
0xac: {  	_ =	task [dreg:s8], $0x5FFFF  }
0xad: {  	[dreg:$0x1] =	wrdreg $0xFFFFFFFF  }
0xae: {  	[dreg:$0x0] =	wrdreg $0x60  }
0xaf: {  	[dreg:$0x2] =	wrdreg s2  }
0xb0: {  	[dreg:$0x3] =	wrdreg s24  }
0xb1: {  	[dreg:$0x4] =	wrdreg s18  }
0xb2: {  	[dreg:$0x5] =	wrdreg $0x9  }
0xb3: {  	_ =	task.clear_ibuf [dreg:s8], $0x6FFFF;
	_ =	strace $0x90000046  }
0xb4: {  	s29 =	simm.s32 $0x9;
	_ =	strace $0x80000048  }
0xb5: {  	_ =	swait.ge [sflag:s29], $0x1  }
0xb6: {  	[sflag:s29] =	ssyncadd.s32 $0xFFFFFFFF  }
0xb7: {  	_ =	strace $0x90000048  }
0xb8: {  	_ =	sfence  }
0xb9: {  	s30 =	sld [smem:$0x0];
	_ =	sdelay $0x2  }
0xba: {  	s31 =	sshll.u32 s1, $0xD;
	s1 =	sshrl.u32 s1, $0x2  }
0xbb: {  	s3 =	sand.u32 $0x4000, s31;
	s1 =	sadd.s32 s1, s30  }
0xbc: {  	s0 =	sor.u32 s3, s0;
	s1 =	sshll.u32 s1, $0x11  }
0xbd: {  	s0 =	sor.u32 s1, s0  }
0xbe: {  	s0 =	sadd.s32 $0x8F2B, s0  }
0xbf: {  	[sflag:s0] =	ssyncadd.remote.s32 $0x1  }
0xc0: {  	_ =	sfence.sel $0xFFFF  }
0xc1: {  	[dreg:$0x0] =	wrdreg $0xFFFFFFFF;
	(pc) =	sbr.abs _section_cstart, $3  }
0xc2: {  	[dreg:$0x1] =	wrdreg $0xFFFFFFFF  }
0xc3: {  	_ =	task.clear_ibuf [dreg:s8], $0x2FFFF;
	_ =	strace $0x9FFFFFFF  }
0xc4: {  	(tm) =	ssettm $0x7FFFFFFF  }
0xc5: {  	_ =	shalt  }
tec
execute0_lowered:
.L_overlay_start_1:
0x0: {  	(tag) =	ssettag $0x1  }
0x1: {  	s5 =	rddreg [dreg:$0x0]  }
0x2: {  	s4 =	rddreg [dreg:$0x1]  }
0x3: {  	s6 =	rddreg [dreg:$0x2]  }
0x4: {  	s0 =	rddreg [dreg:$0x3]  }
0x5: {  	s2 =	simm.s32 $0x0;
	s3 =	srdreg.scid;
	s1 =	stileid.u32  }
0x6: {  	s11 =	simm.s32 $0x200;
	s12 =	simm.s32 $0x0;
	[smem:$0x7FF] =	sst s2  }
0x7: {  	s7 =	sand.u32 $0x1, s3;
	s3 =	sadd.s32 $0x600, s4;
	s8 =	sshll.u32 s1, $0xA  }
0x8: {  	s4 =	sadd.s32 $0x800, s4;
	s9 =	sshll.u32 s7, $0x9;
	s7 =	ssub.s32 $0x2, s7  }
0x9: {  	_ =	strace $0x80000047;
	s8 =	sor.u32 s9, s8;
	s31 =	sshrl.u32 s7, $0x1  }
0xa: {  	s9 =	simm.s32 $0xA00;
	s10 =	sshrl.u32 s8, $0x3;
	s8 =	sshrl.u32 s8, $0x1  }
0xb: {  	s7 =	ssub.s32 s7, s31;
	s5 =	sadd.s32 s5, s10;
	s6 =	sadd.s32 s6, s8  }
0xc: {  	s7 =	smax.u32 s7, $0x1;
	s8 =	simm.s32 $0x1;
	s10 =	simm.s32 $0x1600  }
.LBB2_1:
0xd: {  	[tilespmem:s2], [sflag:$0x1] =	stream.linear.gather [hbm4b:s5+s2], $0x200, $0x38;
	[tilespmem:$0x2200] =	vst v63  }
0xe: {  	_ =	swait.ge [sflag:s8], $0x200  }
0xf: {  	[sflag:s8] =	ssyncset.done $0x0  }
0x10: {  	[sflag:s8] =	ssyncadd.s32 $0xFFFFFE00  }
0x11: {  	[tilespmem:s9], [sflag:$0x1] =	stream.linear.gather [hbm4b:s3+s2], $0x880, $0x38;
	[tilespmem:$0x2200] =	vst v63  }
0x12: {  	_ =	swait.ge [sflag:s8], $0x880  }
0x13: {  	[sflag:s8] =	ssyncset.done $0x0  }
0x14: {  	[sflag:s8] =	ssyncadd.s32 $0xFFFFF780  }
0x15: {  	[tilespmem:s10], [sflag:$0x1] =	stream.linear.gather [hbm4b:s4+s2], $0x880, $0x38;
	[tilespmem:$0x2200] =	vst v63  }
0x16: {  	_ =	swait.ge [sflag:s8], $0x880  }
0x17: {  	[sflag:s8] =	ssyncset.done $0x0  }
0x18: {  	s13 =	simm.s32 $0x0;
	[sflag:s8] =	ssyncadd.s32 $0xFFFFF780  }
0x19: {  	v0 =	vld [tilespmem:s13+$0x0];
	_ =	sdelay $0x4  }
0x1a: {  	v0 =	vmax.f32 v0, $0.0e+00  }
0x1b: {  	v0 =	vmin.f32 v0, $1.000000000e+00  }
0x1c: {  	v0 =	vmul.f32 $1.600000000e+01, v0;
	_ =	sdelay $0x1  }
0x1d: {  	v1 =	vtrunc.f32 v0  }
0x1e: {  	v1 =	vcvt.f32.s32 v1;
	_ =	sdelay $0x1  }
0x1f: {  	vm0 =	vlt.s32 v1, $0xF  }
0x20: {  	v1 =	vnsel vm0, $0xF, v1  }
0x21: {  	v2 =	vshll.u32 v1, $0x7;
	_ =	sdelay $0x1  }
0x22: {  	v1 =	vcvt.s32.f32 v1;
	v7 =	vadd.s32 $0x80, v2  }
0x23: {  	v3 =	vor.u32 $0x1, v2  }
0x24: {  	v4 =	vsub.f32 v0, v1  }
0x25: {  	v5 =	vor.u32 $0x2, v2;
	v8 =	vld.idx.msk [tilespmem:v2+s10+$0x0], $0xffff  }
0x26: {  	v9 =	vadd.s32 $0x81, v2;
	v15 =	vadd.s32 $0x82, v2;
	v0 =	vmul.f32 v4, v4;
	v2 =	vld.idx.msk [tilespmem:v2+s9+$0x0], $0xffff  }
0x27: {  	v14 =	vld.idx.msk [tilespmem:v7+s9+$0x0], $0xffff  }
0x28: {  	v1 =	vmul.f32 v0, v4;
	v12 =	vld.idx.msk [tilespmem:v3+s10+$0x0], $0xffff;
	v6 =	vadd.f32 v0, v0  }
0x29: {  	v13 =	vld.idx.msk [tilespmem:v3+s9+$0x0], $0xffff  }
0x2a: {  	v10 =	vmul.f32 $3.000000000e+00, v0;
	v17 =	vld.idx.msk [tilespmem:v5+s10+$0x0], $0xffff;
	v3 =	vadd.f32 v1, v1;
	v6 =	vsub.f32 v1, v6  }
0x2b: {  	v16 =	vld.idx.msk [tilespmem:v5+s9+$0x0], $0xffff  }
0x2c: {  	v5 =	vld.idx.msk [tilespmem:v9+s9+$0x0], $0xffff;
	v11 =	vsub.f32 v3, v10;
	v18 =	vadd.f32 v6, v4  }
0x2d: {  	v6 =	vld.idx.msk [tilespmem:v15+s9+$0x0], $0xffff;
	v10 =	vsub.f32 v10, v3  }
0x2e: {  	v11 =	vadd.f32 $1.000000000e+00, v11;
	v3 =	vmul.f32 v18, v8;
	v12 =	vmul.f32 v18, v12;
	v8 =	vld.idx.msk [tilespmem:v9+s10+$0x0], $0xffff  }
0x2f: {  	s14 =	simm.s32 $0x10;
	v9 =	vld.idx.msk [tilespmem:v15+s10+$0x0], $0xffff;
	v4 =	vmul.f32 v10, v14;
	v15 =	vmul.f32 v18, v17  }
0x30: {  	s16 =	simm.s32 $0x0;
	s15 =	simm.s32 $0x0;
	s13 =	sand.u32 $0x600, s2;
	v7 =	vld.idx.msk [tilespmem:v7+s10+$0x0], $0xffff;
	v13 =	vmul.f32 v11, v13;
	v14 =	vmul.f32 v11, v16  }
.LBB2_2:
0x31: {  	p0 =	sne.s32 s14, $0x1F0  }
0x32: {  	v0 =	vsub.f32 v1, v0;
	v1 =	vadd.f32 v13, v12;
	s16 =	sadd.s32 $0x40, s16;
	s17 =	smov.u32 s14;
	s14 =	sadd.s32 $0x10, s14  }
0x33: {  	v2 =	vmul.f32 v11, v2;
	v5 =	vmul.f32 v10, v5;
	s18 =	sand.u32 $0x600, s16;
	v11 =	vadd.f32 v14, v15  }
0x34: {  	v6 =	vmul.f32 v10, v6  }
0x35: {  	v2 =	vadd.f32 v2, v3;
	v1 =	vadd.f32 v1, v5;
	v3 =	vmul.f32 v8, v0  }
0x36: {  	s19 =	sshra.s32 s16, $0x2;
	v5 =	vadd.f32 v11, v6;
	v6 =	vmul.f32 v9, v0  }
0x37: {  	s20 =	sand.u32 $0x70, s15;
	s15 =	smov.u32 s17;
	v2 =	vadd.f32 v2, v4;
	v0 =	vmul.f32 v7, v0;
	v1 =	vadd.f32 v1, v3  }
0x38: {  	s17 =	sor.u32 s20, s13;
	s13 =	smov.u32 s18;
	v3 =	vadd.f32 v5, v6  }
0x39: {  	v0 =	vadd.f32 v2, v0;
	[tilespmem:s17+$0x280] =	vst v1  }
0x3a: {  	[tilespmem:s17+$0x300] =	vst v3  }
0x3b: {  	[tilespmem:s17+$0x200] =	vst v0  }
0x3c: {  	v0 =	vld [tilespmem:s19+$0x0];
	_ =	sdelay $0x4  }
0x3d: {  	v0 =	vmax.f32 v0, $0.0e+00  }
0x3e: {  	v0 =	vmin.f32 v0, $1.000000000e+00  }
0x3f: {  	v0 =	vmul.f32 $1.600000000e+01, v0;
	_ =	sdelay $0x1  }
0x40: {  	v1 =	vtrunc.f32 v0  }
0x41: {  	v1 =	vcvt.f32.s32 v1;
	_ =	sdelay $0x1  }
0x42: {  	vm0 =	vlt.s32 v1, $0xF  }
0x43: {  	v1 =	vnsel vm0, $0xF, v1  }
0x44: {  	v2 =	vcvt.s32.f32 v1;
	v3 =	vshll.u32 v1, $0x7  }
0x45: {  	v4 =	vor.u32 $0x1, v3;
	v5 =	vor.u32 $0x2, v3;
	v7 =	vadd.s32 $0x80, v3  }
0x46: {  	v8 =	vadd.s32 $0x81, v3;
	v9 =	vadd.s32 $0x82, v3;
	v2 =	vsub.f32 v0, v2;
	_ =	sdelay $0x1  }
0x47: {  	v0 =	vmul.f32 v2, v2  }
0x48: {  	v6 =	vld.idx.msk [tilespmem:v3+s10+$0x0], $0xffff  }
0x49: {  	v14 =	vld.idx.msk [tilespmem:v7+s9+$0x0], $0xffff;
	v1 =	vmul.f32 v0, v2;
	v10 =	vadd.f32 v0, v0  }
0x4a: {  	v12 =	vld.idx.msk [tilespmem:v4+s10+$0x0], $0xffff  }
0x4b: {  	v15 =	vmul.f32 $3.000000000e+00, v0;
	v4 =	vld.idx.msk [tilespmem:v4+s9+$0x0], $0xffff;
	v13 =	vadd.f32 v1, v1;
	v10 =	vsub.f32 v1, v10  }
0x4c: {  	v16 =	vld.idx.msk [tilespmem:v5+s9+$0x0], $0xffff  }
0x4d: {  	v17 =	vld.idx.msk [tilespmem:v5+s10+$0x0], $0xffff;
	v11 =	vsub.f32 v13, v15;
	v18 =	vadd.f32 v10, v2  }
0x4e: {  	v2 =	vld.idx.msk [tilespmem:v3+s9+$0x0], $0xffff  }
.Ltmp0:
0x4f: {  	v5 =	vld.idx.msk [tilespmem:v8+s9+$0x0], $0xffff;
	v11 =	vadd.f32 $1.000000000e+00, v11;
	v3 =	vmul.f32 v18, v6;
	(pc) =	sbr.rel @p0 .LBB2_2-.Ltmp0, $4  }
0x50: {  	v10 =	vsub.f32 v15, v13;
	v12 =	vmul.f32 v18, v12;
	v6 =	vld.idx.msk [tilespmem:v9+s9+$0x0], $0xffff  }
0x51: {  	v8 =	vld.idx.msk [tilespmem:v8+s10+$0x0], $0xffff;
	v13 =	vmul.f32 v11, v4  }
0x52: {  	v4 =	vmul.f32 v10, v14;
	v9 =	vld.idx.msk [tilespmem:v9+s10+$0x0], $0xffff  }
0x53: {  	v14 =	vmul.f32 v11, v16;
	v15 =	vmul.f32 v18, v17;
	v7 =	vld.idx.msk [tilespmem:v7+s10+$0x0], $0xffff  }
0x54: {  	v0 =	vsub.f32 v1, v0  }
0x55: {  	v58 =	vadd.f32 v13, v12;
	v2 =	vmul.f32 v11, v2;
	v5 =	vmul.f32 v10, v5  }
0x56: {  	v59 =	vadd.f32 v14, v15;
	v6 =	vmul.f32 v10, v6  }
0x57: {  	v2 =	vadd.f32 v2, v3;
	v1 =	vadd.f32 v58, v5;
	v60 =	vmul.f32 v8, v0  }
0x58: {  	v61 =	vadd.f32 v59, v6;
	v62 =	vmul.f32 v9, v0  }
0x59: {  	s14 =	sand.u32 $0x70, s15;
	v2 =	vadd.f32 v2, v4;
	v0 =	vmul.f32 v7, v0;
	v1 =	vadd.f32 v1, v60  }
0x5a: {  	s13 =	sor.u32 s14, s13;
	v63 =	vadd.f32 v61, v62  }
0x5b: {  	s12 =	sadd.s32 $0x1, s12;
	v0 =	vadd.f32 v2, v0;
	[tilespmem:s13+$0x280] =	vst v1  }
0x5c: {  	p0 =	sne.s32 s12, s7;
	[tilespmem:s13+$0x300] =	vst v63  }
.Ltmp1:
0x5d: {  	[tilespmem:s13+$0x200] =	vst v0;
	(pc) =	sbr.rel @p0 .LBB2_1-.Ltmp1, $4  }
0x5e: {  	[hbm4b:s6+s2] =	stream.linear.scatter [tilespmem:s11], [sflag:$0x1], $0x800, $0x38;
	[tilespmem:$0x2200] =	vst v63  }
0x5f: {  	_ =	swait.ge [sflag:s8], $0x800  }
0x60: {  	[sflag:s8] =	ssyncset.done $0x0  }
0x61: {  	[sflag:s8] =	ssyncadd.s32 $0xFFFFF800  }
0x62: {  	_ =	sfence.sel $0x180000  }
0x63: {  	[bflag:$0x0] =	sbarrier.arrive $0xFFFF  }
0x64: {  	p0 =	sne.s32 s1, $0x0;
	_ =	strace $0x90000047  }
0x65: {  	s0 =	sadd.s32 @!p0 $0x100000, s0;
	[bflag:$0x2] =	sbarrier.arrive $0xFFFF  }
0x66: {  	[sflag:s0] =	ssyncadd.tile.s32 @!p0 $0x1;
	_ =	shalt  }
.Lfunc_end2:
_tile_overlayer_lowered:
.L_overlay_start_2:
0x67: {  	(tag) =	ssettag $0x2  }
0x68: {  	s0 =	rddreg [dreg:$0x0];
	s2 =	stileid.u32  }
0x69: {  	s1 =	rddreg [dreg:$0x1];
	p0 =	sne.s32 s2, $0x0  }
0x6a: {  	s3 =	rddreg [dreg:$0x2];
	[bflag:$0x3] =	sbarrier.arrive $0xFFFF;
	s2 =	simm.s32 @!p0 $0x1C01  }
0x6b: {  	[timem:s3], [sflag:s2] =	dma.local @!p0 [hbm:s0], s1  }
0x6c: {  	s0 =	simm.s32 @!p0 $0x1  }
0x6d: {  	_ =	swait.ge @!p0 [sflag:s0], s1  }
0x6e: {  	s1 =	ssub.s32 @!p0 $0x0, s1;
	[sflag:s0] =	ssyncset.done @!p0 $0x0  }
0x6f: {  	[sflag:s0] =	ssyncadd.s32 @!p0 s1  }
0x70: {  	[bflag:$0x3] =	sbarrier.arrive $0xFFFF  }
0x71: {  	_ =	shalt  }

</sc_bundles>
